<compile_context>
chip_gen: v7x
topology: tpu7x:2x2x1
jax: 0.10.2.dev20260603
libtpu: 0.0.44.dev20260713+nightly
codegen_flags: <defaults>
</compile_context>

<pallas_src>
import functools

import jax
import jax.numpy as jnp
from jax import lax
from jax.experimental import pallas as pl
from jax.experimental.pallas import tpu as pltpu
from jax.experimental.pallas import tpu_sc as plsc

D_MODEL = 1024
BATCH = 4
SEQ = 2048
N_TOKENS = BATCH * SEQ

_info = plsc.get_sparse_core_info()
NC, NS = _info.num_cores, _info.num_subcores
NW = NC * NS
B_PER_W = N_TOKENS // NW
W_PER_ROW = SEQ // B_PER_W
CHUNK = 32
NCHUNK = B_PER_W // CHUNK
NPAIR = NCHUNK // 2

_mesh = plsc.VectorSubcoreMesh(core_axis_name="c", subcore_axis_name="s")


@functools.partial(
    pl.kernel,
    mesh=_mesh,
    out_type=jax.ShapeDtypeStruct((N_TOKENS, D_MODEL), jnp.float32),
    scratch_types=[
        pltpu.VMEM((B_PER_W,), jnp.int32),
        pltpu.VMEM((2, CHUNK, D_MODEL), jnp.float32),
        pltpu.SemaphoreType.DMA,
        pltpu.SemaphoreType.DMA,
        pltpu.SemaphoreType.DMA,
        pltpu.SemaphoreType.DMA,
    ],
)
def _sc_gather(ids_hbm, table_hbm, out_hbm, idx_v, rows_v, gs0, gs1, ss0, ss1):
    wid = lax.axis_index("s") * NC + lax.axis_index("c")
    base = wid * B_PER_W
    row = wid // W_PER_ROW
    col = (wid % W_PER_ROW) * B_PER_W
    pltpu.sync_copy(ids_hbm.at[row, pl.ds(col, B_PER_W)], idx_v)

    gsem = (gs0, gs1)
    ssem = (ss0, ss1)

    def gather(i, b, sem):
        return pltpu.async_copy(
            table_hbm.at[idx_v.at[pl.ds(i * CHUNK, CHUNK)]],
            rows_v.at[b], sem)

    def scatter(i, b, sem):
        return pltpu.async_copy(
            rows_v.at[b], out_hbm.at[pl.ds(base + i * CHUNK, CHUNK)], sem)

    def wait_gather(b):
        pltpu.make_async_copy(
            table_hbm.at[pl.ds(0, CHUNK)], rows_v.at[b], gsem[b]).wait()

    def wait_scatter(b):
        pltpu.make_async_copy(
            rows_v.at[b], out_hbm.at[pl.ds(0, CHUNK)], ssem[b]).wait()

    gather(0, 0, gsem[0])

    def body(j, _):
        i0 = 2 * j
        @pl.when(j >= 1)
        def _():
            wait_scatter(1)
        gather(i0 + 1, 1, gsem[1])
        wait_gather(0)
        scatter(i0, 0, ssem[0])
        @pl.when(j <= NPAIR - 2)
        def _():
            wait_scatter(0)
            gather(i0 + 2, 0, gsem[0])
        wait_gather(1)
        scatter(i0 + 1, 1, ssem[1])
        return _

    lax.fori_loop(0, NPAIR, body, None)
    wait_scatter(0)
    wait_scatter(1)


def kernel(input_ids, embed_table):
    out = _sc_gather(input_ids.astype(jnp.int32), embed_table)
    return out.reshape(BATCH, SEQ, D_MODEL)

# --- scband reference (transcript-rebuilt; emitter-appended) ---
"""Pipeline reference for scband-embedding-32177894982340 (READ-ONLY COPY).

The authoritative reference and input builder live on the scoring server;
editing this copy changes nothing except your own understanding.
"""

import jax, jax.numpy as jnp
import numpy as np

VOCAB = 100000
D_MODEL = 1024
BATCH = 4
SEQ = 2048

def setup_inputs(seed: int = 0) -> dict:
    key = jax.random.key(seed)
    k_ids, k_tab = jax.random.split(key)
    input_ids = jax.random.randint(k_ids, (BATCH, SEQ), 0, VOCAB, dtype=jnp.int64 if jax.config.jax_enable_x64 else jnp.int32)
    embed_table = jax.random.normal(k_tab, (VOCAB, D_MODEL), dtype=jnp.float32) * 0.02
    return {"input_ids": input_ids, "embed_table": embed_table}

def reference(input_ids, embed_table):
    # Faithful translation of llm.model.embed_tokens(input_ids):
    # a plain embedding-table row gather.
    return jnp.take(embed_table, input_ids, axis=0)

if __name__ == "__main__":
    import jax
    _d = setup_inputs()
    print(jax.jit(kernel)(*tuple(_d.values())))

</pallas_src>

<mosaic_0001>
#map = affine_map<(d0, d1) -> (0, 0)>
module attributes {stable_mosaic.version = 14 : i64} {
  func.func @_sc_gather(%arg0: i32, %arg1: i32, %arg2: memref<4x2048xi32, #tpu.memory_space<hbm>>, %arg3: memref<100000x1024xf32, #tpu.memory_space<hbm>>, %arg4: memref<8192x1024xf32, #tpu.memory_space<hbm>>, %arg5: memref<256xi32, #tpu.memory_space<vmem>>, %arg6: memref<2x32x1024xf32, #tpu.memory_space<vmem>>, %arg7: memref<!tpu.dma_semaphore, #tpu.memory_space<semaphore_mem>>, %arg8: memref<!tpu.dma_semaphore, #tpu.memory_space<semaphore_mem>>, %arg9: memref<!tpu.dma_semaphore, #tpu.memory_space<semaphore_mem>>, %arg10: memref<!tpu.dma_semaphore, #tpu.memory_space<semaphore_mem>>) attributes {dimension_semantics = [#tpu.dimension_semantics<core_parallel>, #tpu.dimension_semantics<subcore_parallel>], iteration_bounds = array<i64: 2, 16>, scalar_prefetch = 0 : i64, scratch_operands = 6 : i64, tpu.core_type = #tpu.core_type<sc_vector_subcore>, window_params = [{transform_indices = #map}, {transform_indices = #map}, {transform_indices = #map}]} {
    %mul3A = arith.constant 2 : i32
    %mul3A_0 = arith.muli %arg1, %mul3A : i32
    %add3A = arith.addi %mul3A_0, %arg0 : i32
    %mul3A_1 = arith.constant 256 : i32
    %mul3A_2 = arith.muli %add3A, %mul3A_1 : i32
    %jit3A = arith.constant 8 : i32
    %div3A = arith.divsi %add3A, %jit3A : i32
    %sign3A = arith.constant 0 : i32
    %sign3A_3 = arith.cmpi sgt, %add3A, %sign3A : i32
    %sign3A_4 = arith.extui %sign3A_3 : i1 to i32
    %sign3A_5 = arith.constant 0 : i32
    %sign3A_6 = arith.cmpi slt, %add3A, %sign3A_5 : i32
    %sign3A_7 = arith.extui %sign3A_6 : i1 to i32
    %sign3A_8 = arith.subi %sign3A_4, %sign3A_7 : i32
    %sign3A_9 = arith.constant 0 : i32
    %sign3A_10 = arith.cmpi sgt, %jit3A, %sign3A_9 : i32
    %sign3A_11 = arith.extui %sign3A_10 : i1 to i32
    %sign3A_12 = arith.constant 0 : i32
    %sign3A_13 = arith.cmpi slt, %jit3A, %sign3A_12 : i32
    %sign3A_14 = arith.extui %sign3A_13 : i1 to i32
    %sign3A_15 = arith.subi %sign3A_11, %sign3A_14 : i32
    %ne3A = arith.cmpi ne, %sign3A_8, %sign3A_15 : i32
    %rem3A = arith.remsi %add3A, %jit3A : i32
    %ne3A_16 = arith.constant 0 : i32
    %ne3A_17 = arith.cmpi ne, %rem3A, %ne3A_16 : i32
    %and3A = arith.andi %ne3A, %ne3A_17 : i1
    %sub3A = arith.constant 1 : i32
    %sub3A_18 = arith.subi %div3A, %sub3A : i32
    %select_n3A = arith.select %and3A, %sub3A_18, %div3A : i32
    %jit3A_19 = arith.constant 8 : i32
    %eq3A = arith.constant 0 : i32
    %eq3A_20 = arith.cmpi eq, %jit3A_19, %eq3A : i32
    %jit3A_21 = arith.constant 1 : i32
    %select_n3A_22 = arith.select %eq3A_20, %jit3A_21, %jit3A_19 : i32
    %rem3A_23 = arith.remsi %add3A, %select_n3A_22 : i32
    %ne3A_24 = arith.constant 0 : i32
    %ne3A_25 = arith.cmpi ne, %rem3A_23, %ne3A_24 : i32
    %lt3A = arith.constant 0 : i32
    %lt3A_26 = arith.cmpi slt, %rem3A_23, %lt3A : i32
    %lt3A_27 = arith.constant 0 : i32
    %lt3A_28 = arith.cmpi slt, %select_n3A_22, %lt3A_27 : i32
    %ne3A_29 = arith.xori %lt3A_26, %lt3A_28 : i1
    %and3A_30 = arith.andi %ne3A_29, %ne3A_25 : i1
    %add3A_31 = arith.addi %rem3A_23, %select_n3A_22 : i32
    %select_n3A_32 = arith.select %and3A_30, %add3A_31, %rem3A_23 : i32
    %mul3A_33 = arith.constant 256 : i32
    %mul3A_34 = arith.muli %select_n3A_32, %mul3A_33 : i32
    "tpu.region"() ({
      %run_scoped3A = tpu.sem_alloc : memref<!tpu.dma_semaphore, #tpu.memory_space<semaphore_mem>>
      %dma_start3A_77 = tpu.memref_slice %arg2[%select_n3A, %mul3A_34] : memref<4x2048xi32, #tpu.memory_space<hbm>> -> memref<1x256xi32, #tpu.memory_space<hbm>>
      %dma_start3A_78 = tpu.memref_squeeze %dma_start3A_77 : memref<1x256xi32, #tpu.memory_space<hbm>> -> memref<256xi32, #tpu.memory_space<hbm>>
      %dma_start3A_79 = tpu.memref_slice %arg2[%select_n3A, %mul3A_34] : memref<4x2048xi32, #tpu.memory_space<hbm>> -> memref<1x256xi32, #tpu.memory_space<hbm>>
      %dma_start3A_80 = tpu.memref_squeeze %dma_start3A_79 : memref<1x256xi32, #tpu.memory_space<hbm>> -> memref<256xi32, #tpu.memory_space<hbm>>
      tpu.enqueue_dma source(%dma_start3A_80 : memref<256xi32, #tpu.memory_space<hbm>>) target(%arg5 : memref<256xi32, #tpu.memory_space<vmem>>) target_semaphore(%run_scoped3A : memref<!tpu.dma_semaphore, #tpu.memory_space<semaphore_mem>>)
      %dma_wait3A_81 = tpu.memref_slice %arg2[%select_n3A, %mul3A_34] : memref<4x2048xi32, #tpu.memory_space<hbm>> -> memref<1x256xi32, #tpu.memory_space<hbm>>
      %dma_wait3A_82 = tpu.memref_squeeze %dma_wait3A_81 : memref<1x256xi32, #tpu.memory_space<hbm>> -> memref<256xi32, #tpu.memory_space<hbm>>
      %dma_wait3A_83 = tpu.memref_slice %arg2[%select_n3A, %mul3A_34] : memref<4x2048xi32, #tpu.memory_space<hbm>> -> memref<1x256xi32, #tpu.memory_space<hbm>>
      %dma_wait3A_84 = tpu.memref_squeeze %dma_wait3A_83 : memref<1x256xi32, #tpu.memory_space<hbm>> -> memref<256xi32, #tpu.memory_space<hbm>>
      tpu.wait_dma2 semaphore(%run_scoped3A : memref<!tpu.dma_semaphore, #tpu.memory_space<semaphore_mem>>) src(%dma_wait3A_84 : memref<256xi32, #tpu.memory_space<hbm>>) dst(%arg5 : memref<256xi32, #tpu.memory_space<vmem>>)
      tpu.yield
    }) : () -> ()
    %dma_start3A = arith.constant 0 : i32
    %dma_start3A_35 = arith.constant 0 : i32
    %dma_start3A_36 = arith.constant 0 : i32
    %dma_start3A_37 = tpu.memref_slice %arg6[%dma_start3A, %dma_start3A_35, %dma_start3A_36] : memref<2x32x1024xf32, #tpu.memory_space<vmem>> -> memref<1x32x1024xf32, #tpu.memory_space<vmem>>
    %dma_start3A_38 = tpu.memref_squeeze %dma_start3A_37 : memref<1x32x1024xf32, #tpu.memory_space<vmem>> -> memref<32x1024xf32, #tpu.memory_space<vmem>>
    %dma_start3A_39 = arith.constant 0 : i32
    %dma_start3A_40 = tpu.memref_slice %arg5[%dma_start3A_39] : memref<256xi32, #tpu.memory_space<vmem>> -> memref<32xi32, #tpu.memory_space<vmem>>
    %dma_start3A_41 = arith.constant 0 : i32
    %dma_start3A_42 = arith.constant 0 : i32
    %dma_start3A_43 = tpu.memref_slice %arg3[%dma_start3A_41, %dma_start3A_42] : memref<100000x1024xf32, #tpu.memory_space<hbm>> -> memref<100000x1024xf32, #tpu.memory_space<hbm>>
    tpu.enqueue_indirect_dma source(%dma_start3A_43 : memref<100000x1024xf32, #tpu.memory_space<hbm>>) target(%dma_start3A_38 : memref<32x1024xf32, #tpu.memory_space<vmem>>) offsets(%dma_start3A_40 : memref<32xi32, #tpu.memory_space<vmem>>) semaphore(%arg7 : memref<!tpu.dma_semaphore, #tpu.memory_space<semaphore_mem>>)
    %scan3A = arith.constant 0 : i32
    %scan3A_44 = arith.constant 4 : i32
    %scan3A_45 = arith.addi %scan3A, %scan3A_44 : i32
    %scan3A_46 = arith.constant 1 : i32
    scf.for %scan3A_77 = %scan3A to %scan3A_45 step %scan3A_46  : i32 {
      %mul3A_78 = arith.constant 2 : i32
      %mul3A_79 = arith.muli %mul3A_78, %scan3A_77 : i32
      %ge3A = arith.constant 1 : i32
      %ge3A_80 = arith.cmpi sge, %scan3A_77, %ge3A : i32
      %convert_element_type3A = arith.extui %ge3A_80 : i1 to i32
      %cond3A = arith.constant 0 : i32
      %cond3A_81 = arith.cmpi ne, %convert_element_type3A, %cond3A : i32
      scf.if %cond3A_81 {
        %dma_wait3A_163 = arith.constant 1 : i32
        %dma_wait3A_164 = arith.constant 0 : i32
        %dma_wait3A_165 = arith.constant 0 : i32
        %dma_wait3A_166 = tpu.memref_slice %arg6[%dma_wait3A_163, %dma_wait3A_164, %dma_wait3A_165] : memref<2x32x1024xf32, #tpu.memory_space<vmem>> -> memref<1x32x1024xf32, #tpu.memory_space<vmem>>
        %dma_wait3A_167 = tpu.memref_squeeze %dma_wait3A_166 : memref<1x32x1024xf32, #tpu.memory_space<vmem>> -> memref<32x1024xf32, #tpu.memory_space<vmem>>
        %dma_wait3A_168 = arith.constant 0 : i32
        %dma_wait3A_169 = arith.constant 0 : i32
        %dma_wait3A_170 = tpu.memref_slice %arg4[%dma_wait3A_168, %dma_wait3A_169] : memref<8192x1024xf32, #tpu.memory_space<hbm>> -> memref<32x1024xf32, #tpu.memory_space<hbm>>
        %dma_wait3A_171 = arith.constant 0 : i32
        %dma_wait3A_172 = arith.constant 0 : i32
        %dma_wait3A_173 = tpu.memref_slice %arg4[%dma_wait3A_171, %dma_wait3A_172] : memref<8192x1024xf32, #tpu.memory_space<hbm>> -> memref<32x1024xf32, #tpu.memory_space<hbm>>
        %dma_wait3A_174 = arith.constant 0 : i32
        %dma_wait3A_175 = arith.constant 0 : i32
        %dma_wait3A_176 = tpu.memref_slice %arg6[%dma_wait3A_163, %dma_wait3A_174, %dma_wait3A_175] : memref<2x32x1024xf32, #tpu.memory_space<vmem>> -> memref<1x32x1024xf32, #tpu.memory_space<vmem>>
        %dma_wait3A_177 = tpu.memref_squeeze %dma_wait3A_176 : memref<1x32x1024xf32, #tpu.memory_space<vmem>> -> memref<32x1024xf32, #tpu.memory_space<vmem>>
        tpu.wait_dma2 semaphore(%arg10 : memref<!tpu.dma_semaphore, #tpu.memory_space<semaphore_mem>>) src(%dma_wait3A_177 : memref<32x1024xf32, #tpu.memory_space<vmem>>) dst(%dma_wait3A_173 : memref<32x1024xf32, #tpu.memory_space<hbm>>)
      } else {
      }
      %add3A_82 = arith.constant 1 : i32
      %add3A_83 = arith.addi %mul3A_79, %add3A_82 : i32
      %mul3A_84 = arith.constant 32 : i32
      %mul3A_85 = arith.muli %add3A_83, %mul3A_84 : i32
      %dma_start3A_86 = arith.constant 1 : i32
      %dma_start3A_87 = arith.constant 0 : i32
      %dma_start3A_88 = arith.constant 0 : i32
      %dma_start3A_89 = tpu.memref_slice %arg6[%dma_start3A_86, %dma_start3A_87, %dma_start3A_88] : memref<2x32x1024xf32, #tpu.memory_space<vmem>> -> memref<1x32x1024xf32, #tpu.memory_space<vmem>>
      %dma_start3A_90 = tpu.memref_squeeze %dma_start3A_89 : memref<1x32x1024xf32, #tpu.memory_space<vmem>> -> memref<32x1024xf32, #tpu.memory_space<vmem>>
      %dma_start3A_91 = tpu.memref_slice %arg5[%mul3A_85] : memref<256xi32, #tpu.memory_space<vmem>> -> memref<32xi32, #tpu.memory_space<vmem>>
      %dma_start3A_92 = arith.constant 0 : i32
      %dma_start3A_93 = arith.constant 0 : i32
      %dma_start3A_94 = tpu.memref_slice %arg3[%dma_start3A_92, %dma_start3A_93] : memref<100000x1024xf32, #tpu.memory_space<hbm>> -> memref<100000x1024xf32, #tpu.memory_space<hbm>>
      tpu.enqueue_indirect_dma source(%dma_start3A_94 : memref<100000x1024xf32, #tpu.memory_space<hbm>>) target(%dma_start3A_90 : memref<32x1024xf32, #tpu.memory_space<vmem>>) offsets(%dma_start3A_91 : memref<32xi32, #tpu.memory_space<vmem>>) semaphore(%arg8 : memref<!tpu.dma_semaphore, #tpu.memory_space<semaphore_mem>>)
      %dma_wait3A_95 = arith.constant 0 : i32
      %dma_wait3A_96 = arith.constant 0 : i32
      %dma_wait3A_97 = arith.constant 0 : i32
      %dma_wait3A_98 = tpu.memref_slice %arg6[%dma_wait3A_95, %dma_wait3A_96, %dma_wait3A_97] : memref<2x32x1024xf32, #tpu.memory_space<vmem>> -> memref<1x32x1024xf32, #tpu.memory_space<vmem>>
      %dma_wait3A_99 = tpu.memref_squeeze %dma_wait3A_98 : memref<1x32x1024xf32, #tpu.memory_space<vmem>> -> memref<32x1024xf32, #tpu.memory_space<vmem>>
      %dma_wait3A_100 = arith.constant 0 : i32
      %dma_wait3A_101 = arith.constant 0 : i32
      %dma_wait3A_102 = tpu.memref_slice %arg3[%dma_wait3A_100, %dma_wait3A_101] : memref<100000x1024xf32, #tpu.memory_space<hbm>> -> memref<32x1024xf32, #tpu.memory_space<hbm>>
      %dma_wait3A_103 = arith.constant 0 : i32
      %dma_wait3A_104 = arith.constant 0 : i32
      %dma_wait3A_105 = tpu.memref_slice %arg6[%dma_wait3A_95, %dma_wait3A_103, %dma_wait3A_104] : memref<2x32x1024xf32, #tpu.memory_space<vmem>> -> memref<1x32x1024xf32, #tpu.memory_space<vmem>>
      %dma_wait3A_106 = tpu.memref_squeeze %dma_wait3A_105 : memref<1x32x1024xf32, #tpu.memory_space<vmem>> -> memref<32x1024xf32, #tpu.memory_space<vmem>>
      %dma_wait3A_107 = arith.constant 0 : i32
      %dma_wait3A_108 = arith.constant 0 : i32
      %dma_wait3A_109 = tpu.memref_slice %arg3[%dma_wait3A_107, %dma_wait3A_108] : memref<100000x1024xf32, #tpu.memory_space<hbm>> -> memref<32x1024xf32, #tpu.memory_space<hbm>>
      tpu.wait_dma2 semaphore(%arg7 : memref<!tpu.dma_semaphore, #tpu.memory_space<semaphore_mem>>) src(%dma_wait3A_109 : memref<32x1024xf32, #tpu.memory_space<hbm>>) dst(%dma_wait3A_106 : memref<32x1024xf32, #tpu.memory_space<vmem>>)
      %mul3A_110 = arith.constant 32 : i32
      %mul3A_111 = arith.muli %mul3A_79, %mul3A_110 : i32
      %add3A_112 = arith.addi %mul3A_2, %mul3A_111 : i32
      %dma_start3A_113 = arith.constant 0 : i32
      %dma_start3A_114 = arith.constant 0 : i32
      %dma_start3A_115 = arith.constant 0 : i32
      %dma_start3A_116 = tpu.memref_slice %arg6[%dma_start3A_113, %dma_start3A_114, %dma_start3A_115] : memref<2x32x1024xf32, #tpu.memory_space<vmem>> -> memref<1x32x1024xf32, #tpu.memory_space<vmem>>
      %dma_start3A_117 = tpu.memref_squeeze %dma_start3A_116 : memref<1x32x1024xf32, #tpu.memory_space<vmem>> -> memref<32x1024xf32, #tpu.memory_space<vmem>>
      %dma_start3A_118 = arith.constant 0 : i32
      %dma_start3A_119 = tpu.memref_slice %arg4[%add3A_112, %dma_start3A_118] : memref<8192x1024xf32, #tpu.memory_space<hbm>> -> memref<32x1024xf32, #tpu.memory_space<hbm>>
      %dma_start3A_120 = arith.constant 0 : i32
      %dma_start3A_121 = tpu.memref_slice %arg4[%add3A_112, %dma_start3A_120] : memref<8192x1024xf32, #tpu.memory_space<hbm>> -> memref<32x1024xf32, #tpu.memory_space<hbm>>
      %dma_start3A_122 = arith.constant 0 : i32
      %dma_start3A_123 = arith.constant 0 : i32
      %dma_start3A_124 = tpu.memref_slice %arg6[%dma_start3A_113, %dma_start3A_122, %dma_start3A_123] : memref<2x32x1024xf32, #tpu.memory_space<vmem>> -> memref<1x32x1024xf32, #tpu.memory_space<vmem>>
      %dma_start3A_125 = tpu.memref_squeeze %dma_start3A_124 : memref<1x32x1024xf32, #tpu.memory_space<vmem>> -> memref<32x1024xf32, #tpu.memory_space<vmem>>
      tpu.enqueue_dma source(%dma_start3A_125 : memref<32x1024xf32, #tpu.memory_space<vmem>>) target(%dma_start3A_121 : memref<32x1024xf32, #tpu.memory_space<hbm>>) target_semaphore(%arg9 : memref<!tpu.dma_semaphore, #tpu.memory_space<semaphore_mem>>)
      %le3A = arith.constant 2 : i32
      %le3A_126 = arith.cmpi sle, %scan3A_77, %le3A : i32
      %convert_element_type3A_127 = arith.extui %le3A_126 : i1 to i32
      %cond3A_128 = arith.constant 0 : i32
      %cond3A_129 = arith.cmpi ne, %convert_element_type3A_127, %cond3A_128 : i32
      scf.if %cond3A_129 {
        %dma_wait3A_163 = arith.constant 0 : i32
        %dma_wait3A_164 = arith.constant 0 : i32
        %dma_wait3A_165 = arith.constant 0 : i32
        %dma_wait3A_166 = tpu.memref_slice %arg6[%dma_wait3A_163, %dma_wait3A_164, %dma_wait3A_165] : memref<2x32x1024xf32, #tpu.memory_space<vmem>> -> memref<1x32x1024xf32, #tpu.memory_space<vmem>>
        %dma_wait3A_167 = tpu.memref_squeeze %dma_wait3A_166 : memref<1x32x1024xf32, #tpu.memory_space<vmem>> -> memref<32x1024xf32, #tpu.memory_space<vmem>>
        %dma_wait3A_168 = arith.constant 0 : i32
        %dma_wait3A_169 = arith.constant 0 : i32
        %dma_wait3A_170 = tpu.memref_slice %arg4[%dma_wait3A_168, %dma_wait3A_169] : memref<8192x1024xf32, #tpu.memory_space<hbm>> -> memref<32x1024xf32, #tpu.memory_space<hbm>>
        %dma_wait3A_171 = arith.constant 0 : i32
        %dma_wait3A_172 = arith.constant 0 : i32
        %dma_wait3A_173 = tpu.memref_slice %arg4[%dma_wait3A_171, %dma_wait3A_172] : memref<8192x1024xf32, #tpu.memory_space<hbm>> -> memref<32x1024xf32, #tpu.memory_space<hbm>>
        %dma_wait3A_174 = arith.constant 0 : i32
        %dma_wait3A_175 = arith.constant 0 : i32
        %dma_wait3A_176 = tpu.memref_slice %arg6[%dma_wait3A_163, %dma_wait3A_174, %dma_wait3A_175] : memref<2x32x1024xf32, #tpu.memory_space<vmem>> -> memref<1x32x1024xf32, #tpu.memory_space<vmem>>
        %dma_wait3A_177 = tpu.memref_squeeze %dma_wait3A_176 : memref<1x32x1024xf32, #tpu.memory_space<vmem>> -> memref<32x1024xf32, #tpu.memory_space<vmem>>
        tpu.wait_dma2 semaphore(%arg9 : memref<!tpu.dma_semaphore, #tpu.memory_space<semaphore_mem>>) src(%dma_wait3A_177 : memref<32x1024xf32, #tpu.memory_space<vmem>>) dst(%dma_wait3A_173 : memref<32x1024xf32, #tpu.memory_space<hbm>>)
        %add3A_178 = arith.constant 2 : i32
        %add3A_179 = arith.addi %mul3A_79, %add3A_178 : i32
        %mul3A_180 = arith.constant 32 : i32
        %mul3A_181 = arith.muli %add3A_179, %mul3A_180 : i32
        %dma_start3A_182 = arith.constant 0 : i32
        %dma_start3A_183 = arith.constant 0 : i32
        %dma_start3A_184 = arith.constant 0 : i32
        %dma_start3A_185 = tpu.memref_slice %arg6[%dma_start3A_182, %dma_start3A_183, %dma_start3A_184] : memref<2x32x1024xf32, #tpu.memory_space<vmem>> -> memref<1x32x1024xf32, #tpu.memory_space<vmem>>
        %dma_start3A_186 = tpu.memref_squeeze %dma_start3A_185 : memref<1x32x1024xf32, #tpu.memory_space<vmem>> -> memref<32x1024xf32, #tpu.memory_space<vmem>>
        %dma_start3A_187 = tpu.memref_slice %arg5[%mul3A_181] : memref<256xi32, #tpu.memory_space<vmem>> -> memref<32xi32, #tpu.memory_space<vmem>>
        %dma_start3A_188 = arith.constant 0 : i32
        %dma_start3A_189 = arith.constant 0 : i32
        %dma_start3A_190 = tpu.memref_slice %arg3[%dma_start3A_188, %dma_start3A_189] : memref<100000x1024xf32, #tpu.memory_space<hbm>> -> memref<100000x1024xf32, #tpu.memory_space<hbm>>
        tpu.enqueue_indirect_dma source(%dma_start3A_190 : memref<100000x1024xf32, #tpu.memory_space<hbm>>) target(%dma_start3A_186 : memref<32x1024xf32, #tpu.memory_space<vmem>>) offsets(%dma_start3A_187 : memref<32xi32, #tpu.memory_space<vmem>>) semaphore(%arg7 : memref<!tpu.dma_semaphore, #tpu.memory_space<semaphore_mem>>)
      } else {
      }
      %dma_wait3A_130 = arith.constant 1 : i32
      %dma_wait3A_131 = arith.constant 0 : i32
      %dma_wait3A_132 = arith.constant 0 : i32
      %dma_wait3A_133 = tpu.memref_slice %arg6[%dma_wait3A_130, %dma_wait3A_131, %dma_wait3A_132] : memref<2x32x1024xf32, #tpu.memory_space<vmem>> -> memref<1x32x1024xf32, #tpu.memory_space<vmem>>
      %dma_wait3A_134 = tpu.memref_squeeze %dma_wait3A_133 : memref<1x32x1024xf32, #tpu.memory_space<vmem>> -> memref<32x1024xf32, #tpu.memory_space<vmem>>
      %dma_wait3A_135 = arith.constant 0 : i32
      %dma_wait3A_136 = arith.constant 0 : i32
      %dma_wait3A_137 = tpu.memref_slice %arg3[%dma_wait3A_135, %dma_wait3A_136] : memref<100000x1024xf32, #tpu.memory_space<hbm>> -> memref<32x1024xf32, #tpu.memory_space<hbm>>
      %dma_wait3A_138 = arith.constant 0 : i32
      %dma_wait3A_139 = arith.constant 0 : i32
      %dma_wait3A_140 = tpu.memref_slice %arg6[%dma_wait3A_130, %dma_wait3A_138, %dma_wait3A_139] : memref<2x32x1024xf32, #tpu.memory_space<vmem>> -> memref<1x32x1024xf32, #tpu.memory_space<vmem>>
      %dma_wait3A_141 = tpu.memref_squeeze %dma_wait3A_140 : memref<1x32x1024xf32, #tpu.memory_space<vmem>> -> memref<32x1024xf32, #tpu.memory_space<vmem>>
      %dma_wait3A_142 = arith.constant 0 : i32
      %dma_wait3A_143 = arith.constant 0 : i32
      %dma_wait3A_144 = tpu.memref_slice %arg3[%dma_wait3A_142, %dma_wait3A_143] : memref<100000x1024xf32, #tpu.memory_space<hbm>> -> memref<32x1024xf32, #tpu.memory_space<hbm>>
      tpu.wait_dma2 semaphore(%arg8 : memref<!tpu.dma_semaphore, #tpu.memory_space<semaphore_mem>>) src(%dma_wait3A_144 : memref<32x1024xf32, #tpu.memory_space<hbm>>) dst(%dma_wait3A_141 : memref<32x1024xf32, #tpu.memory_space<vmem>>)
      %add3A_145 = arith.constant 1 : i32
      %add3A_146 = arith.addi %mul3A_79, %add3A_145 : i32
      %mul3A_147 = arith.constant 32 : i32
      %mul3A_148 = arith.muli %add3A_146, %mul3A_147 : i32
      %add3A_149 = arith.addi %mul3A_2, %mul3A_148 : i32
      %dma_start3A_150 = arith.constant 1 : i32
      %dma_start3A_151 = arith.constant 0 : i32
      %dma_start3A_152 = arith.constant 0 : i32
      %dma_start3A_153 = tpu.memref_slice %arg6[%dma_start3A_150, %dma_start3A_151, %dma_start3A_152] : memref<2x32x1024xf32, #tpu.memory_space<vmem>> -> memref<1x32x1024xf32, #tpu.memory_space<vmem>>
      %dma_start3A_154 = tpu.memref_squeeze %dma_start3A_153 : memref<1x32x1024xf32, #tpu.memory_space<vmem>> -> memref<32x1024xf32, #tpu.memory_space<vmem>>
      %dma_start3A_155 = arith.constant 0 : i32
      %dma_start3A_156 = tpu.memref_slice %arg4[%add3A_149, %dma_start3A_155] : memref<8192x1024xf32, #tpu.memory_space<hbm>> -> memref<32x1024xf32, #tpu.memory_space<hbm>>
      %dma_start3A_157 = arith.constant 0 : i32
      %dma_start3A_158 = tpu.memref_slice %arg4[%add3A_149, %dma_start3A_157] : memref<8192x1024xf32, #tpu.memory_space<hbm>> -> memref<32x1024xf32, #tpu.memory_space<hbm>>
      %dma_start3A_159 = arith.constant 0 : i32
      %dma_start3A_160 = arith.constant 0 : i32
      %dma_start3A_161 = tpu.memref_slice %arg6[%dma_start3A_150, %dma_start3A_159, %dma_start3A_160] : memref<2x32x1024xf32, #tpu.memory_space<vmem>> -> memref<1x32x1024xf32, #tpu.memory_space<vmem>>
      %dma_start3A_162 = tpu.memref_squeeze %dma_start3A_161 : memref<1x32x1024xf32, #tpu.memory_space<vmem>> -> memref<32x1024xf32, #tpu.memory_space<vmem>>
      tpu.enqueue_dma source(%dma_start3A_162 : memref<32x1024xf32, #tpu.memory_space<vmem>>) target(%dma_start3A_158 : memref<32x1024xf32, #tpu.memory_space<hbm>>) target_semaphore(%arg10 : memref<!tpu.dma_semaphore, #tpu.memory_space<semaphore_mem>>)
    }
    %scan3A_47 = arith.constant 4 : i32
    %dma_wait3A = arith.constant 0 : i32
    %dma_wait3A_48 = arith.constant 0 : i32
    %dma_wait3A_49 = arith.constant 0 : i32
    %dma_wait3A_50 = tpu.memref_slice %arg6[%dma_wait3A, %dma_wait3A_48, %dma_wait3A_49] : memref<2x32x1024xf32, #tpu.memory_space<vmem>> -> memref<1x32x1024xf32, #tpu.memory_space<vmem>>
    %dma_wait3A_51 = tpu.memref_squeeze %dma_wait3A_50 : memref<1x32x1024xf32, #tpu.memory_space<vmem>> -> memref<32x1024xf32, #tpu.memory_space<vmem>>
    %dma_wait3A_52 = arith.constant 0 : i32
    %dma_wait3A_53 = arith.constant 0 : i32
    %dma_wait3A_54 = tpu.memref_slice %arg4[%dma_wait3A_52, %dma_wait3A_53] : memref<8192x1024xf32, #tpu.memory_space<hbm>> -> memref<32x1024xf32, #tpu.memory_space<hbm>>
    %dma_wait3A_55 = arith.constant 0 : i32
    %dma_wait3A_56 = arith.constant 0 : i32
    %dma_wait3A_57 = tpu.memref_slice %arg4[%dma_wait3A_55, %dma_wait3A_56] : memref<8192x1024xf32, #tpu.memory_space<hbm>> -> memref<32x1024xf32, #tpu.memory_space<hbm>>
    %dma_wait3A_58 = arith.constant 0 : i32
    %dma_wait3A_59 = arith.constant 0 : i32
    %dma_wait3A_60 = tpu.memref_slice %arg6[%dma_wait3A, %dma_wait3A_58, %dma_wait3A_59] : memref<2x32x1024xf32, #tpu.memory_space<vmem>> -> memref<1x32x1024xf32, #tpu.memory_space<vmem>>
    %dma_wait3A_61 = tpu.memref_squeeze %dma_wait3A_60 : memref<1x32x1024xf32, #tpu.memory_space<vmem>> -> memref<32x1024xf32, #tpu.memory_space<vmem>>
    tpu.wait_dma2 semaphore(%arg9 : memref<!tpu.dma_semaphore, #tpu.memory_space<semaphore_mem>>) src(%dma_wait3A_61 : memref<32x1024xf32, #tpu.memory_space<vmem>>) dst(%dma_wait3A_57 : memref<32x1024xf32, #tpu.memory_space<hbm>>)
    %dma_wait3A_62 = arith.constant 1 : i32
    %dma_wait3A_63 = arith.constant 0 : i32
    %dma_wait3A_64 = arith.constant 0 : i32
    %dma_wait3A_65 = tpu.memref_slice %arg6[%dma_wait3A_62, %dma_wait3A_63, %dma_wait3A_64] : memref<2x32x1024xf32, #tpu.memory_space<vmem>> -> memref<1x32x1024xf32, #tpu.memory_space<vmem>>
    %dma_wait3A_66 = tpu.memref_squeeze %dma_wait3A_65 : memref<1x32x1024xf32, #tpu.memory_space<vmem>> -> memref<32x1024xf32, #tpu.memory_space<vmem>>
    %dma_wait3A_67 = arith.constant 0 : i32
    %dma_wait3A_68 = arith.constant 0 : i32
    %dma_wait3A_69 = tpu.memref_slice %arg4[%dma_wait3A_67, %dma_wait3A_68] : memref<8192x1024xf32, #tpu.memory_space<hbm>> -> memref<32x1024xf32, #tpu.memory_space<hbm>>
    %dma_wait3A_70 = arith.constant 0 : i32
    %dma_wait3A_71 = arith.constant 0 : i32
    %dma_wait3A_72 = tpu.memref_slice %arg4[%dma_wait3A_70, %dma_wait3A_71] : memref<8192x1024xf32, #tpu.memory_space<hbm>> -> memref<32x1024xf32, #tpu.memory_space<hbm>>
    %dma_wait3A_73 = arith.constant 0 : i32
    %dma_wait3A_74 = arith.constant 0 : i32
    %dma_wait3A_75 = tpu.memref_slice %arg6[%dma_wait3A_62, %dma_wait3A_73, %dma_wait3A_74] : memref<2x32x1024xf32, #tpu.memory_space<vmem>> -> memref<1x32x1024xf32, #tpu.memory_space<vmem>>
    %dma_wait3A_76 = tpu.memref_squeeze %dma_wait3A_75 : memref<1x32x1024xf32, #tpu.memory_space<vmem>> -> memref<32x1024xf32, #tpu.memory_space<vmem>>
    tpu.wait_dma2 semaphore(%arg10 : memref<!tpu.dma_semaphore, #tpu.memory_space<semaphore_mem>>) src(%dma_wait3A_76 : memref<32x1024xf32, #tpu.memory_space<vmem>>) dst(%dma_wait3A_72 : memref<32x1024xf32, #tpu.memory_space<hbm>>)
    return
  }
}

</mosaic_0001>

<sc_bundles>
// kernel: kernel.3.cloned.1.call-start
scs
__scs_entry_jumppad:
0x0: {  	(pc) =	sbr.rel $0x88, $3  }
0x1: {  	(tag) =	ssettag $0x0;
	lr =	simm.s32 $0x1  }
0x2: {  	[smem:$0x3F9F] =	sst lr;
	_ =	strace $0xD0000000  }
0x3: {  	_ = 	snop  }
0x4: {  	_ = 	snop  }
0x5: {  	_ = 	snop  }
0x6: {  	_ = 	snop  }
0x7: {  	_ = 	snop  }
__scs_overlays_trampoline_lowered:
0x8: {  	[smem:$0x3FAE] =	sst s0  }
0x9: {  	[smem:$0x3FAF] =	sst s1  }
0xa: {  	[smem:$0x3FB0] =	sst s2  }
0xb: {  	[smem:$0x3FB1] =	sst s3  }
0xc: {  	[smem:$0x3FB2] =	sst s4  }
0xd: {  	[smem:$0x3FB3] =	sst s5  }
0xe: {  	[smem:$0x3FB4] =	sst s6  }
0xf: {  	[smem:$0x3FB5] =	sst s7  }
0x10: {  	[smem:$0x3FB6] =	sst s8  }
0x11: {  	[smem:$0x3FB7] =	sst s9;
	s0 =	simm.s32 @!p0 $0x0  }
0x12: {  	s1 =	sld [smem:$0x3F9D];
	s0 =	simm.s32 @p0 $0x1  }
0x13: {  	[smem:$0x3FB8] =	sst s0;
	s0 =	simm.s32 @!p1 $0x0  }
0x14: {  	s2 =	sld [smem:$0x3F9C];
	s0 =	simm.s32 @p1 $0x1  }
0x15: {  	[smem:$0x3FB9] =	sst s0;
	s0 =	simm.s32 @!p2 $0x0  }
0x16: {  	s3 =	sld [smem:$0x3FDB];
	s0 =	simm.s32 @p2 $0x1  }
0x17: {  	s4 =	simm.s32 $0x1BF5;
	[smem:$0x3FBB] =	sst s0  }
0x18: {  	s0 =	sld [smem:$0x3F9E];
	_ =	swait.ge [sflag:s4], $0x0  }
0x19: {  	s7 =	sld [smem:$0x3F9F]  }
0x1a: {  	s8 =	sadd.s32 $0xFFFFE003, lr  }
0x1b: {  	s9 =	sadd.s32 $0xFFFFFEF7, lr;
	s5 =	simm.s32 $0xFFFFFFFF;
	p2 =	slt.u32 s8, $0xFFFFF086  }
0x1c: {  	p1 =	slt.u32 s9, $0xF7A;
	s5 =	simm.s32 @!p2 $0x0  }
0x1d: {  	s5 =	simm.s32 @p1 $0x1;
	p0 =	seq.s32 s7, s2  }
0x1e: {  	s7 =	smul.u32 @!p0 $0xF7A, s2;
	p2 =	seq.s32 @!p0 s5, $0x0  }
0x1f: {  	s9 =	smul.u32 $0xF7A, s1;
	s8 =	simm.s32 @!p0 $0x1BF5;
	p2 =	por !p2, p0  }
0x20: {  	[sflag:s8] =	ssyncset.s32 @!p0 $0xFFFFF086;
	s6 =	sadd.s32 @!p0 s3, s7;
	s7 =	simm.s32 @!p0 $0x108  }
0x21: {  	s3 =	sadd.s32 s3, s9;
	s6 =	sadd.s32 @!p0 $0x88, s6;
	s7 =	simm.s32 @p2 $0x1082  }
0x22: {  	[simem:s7], [sflag:s8] =	dma.local @!p0 [hbm:s6], $0xF7A  }
0x23: {  	s9 =	sor.u32 $0xD0000000, s2;
	s6 =	simm.s32 $0x108;
	_ =	swait.ge @!p0 [sflag:s8], $0x0  }
0x24: {  	s3 =	sadd.s32 $0x88, s3;
	s6 =	simm.s32 @!p1 $0x1082;
	[sflag:s4] =	ssyncset.s32 $0xFFFFF086  }
0x25: {  	[simem:s6], [sflag:s4] =	dma.local [hbm:s3], $0xF7A  }
0x26: {  	[smem:$0x3F9F] =	sst s1;
	(tag) =	ssettag s2;
	_ =	strace s9  }
0x27: {  	s1 =	sld [smem:$0x3FAF]  }
0x28: {  	s2 =	sld [smem:$0x3FB0]  }
0x29: {  	s4 =	sld [smem:$0x3FB2]  }
0x2a: {  	p0 =	seq.s32 s5, $0x0;
	s5 =	sld [smem:$0x3FB3]  }
0x2b: {  	s6 =	sld [smem:$0x3FB4]  }
0x2c: {  	s7 =	sld [smem:$0x3FB5]  }
0x2d: {  	s3 =	simm.s32 $0x108;
	s8 =	sld [smem:$0x3FB6]  }
0x2e: {  	s3 =	simm.s32 @!p0 $0x1082;
	s9 =	sld [smem:$0x3FB7]  }
0x2f: {  	lr =	sadd.s32 s0, s3;
	s0 =	sld [smem:$0x3FAE]  }
0x30: {  	s3 =	sld [smem:$0x3FB1]  }
0x31: {  	[smem:$0x3FBA] =	sst s10  }
0x32: {  	s10 =	sld [smem:$0x3FB8];
	_ =	sdelay $0x3  }
0x33: {  	p0 =	seq.s32 s10, $0x1;
	s10 =	sld [smem:$0x3FBA];
	_ =	sdelay $0x3  }
0x34: {  	[smem:$0x3FBA] =	sst s10  }
0x35: {  	s10 =	sld [smem:$0x3FB9];
	_ =	sdelay $0x3  }
0x36: {  	p1 =	seq.s32 s10, $0x1;
	s10 =	sld [smem:$0x3FBA];
	_ =	sdelay $0x3  }
0x37: {  	[smem:$0x3FBA] =	sst s10  }
0x38: {  	s10 =	sld [smem:$0x3FBB]  }
0x39: {  	_ = 	snop;
	(pc) =	sbr.ind lr, $3  }
0x3a: {  	_ = 	snop  }
0x3b: {  	_ = 	snop  }
0x3c: {  	p2 =	seq.s32 s10, $0x1;
	s10 =	sld [smem:$0x3FBA]  }
0x3d: {  	_ =	shalt  }
0x3e: {  	_ =	shalt  }
0x3f: {  	_ =	shalt  }
0x40: {  	_ =	shalt  }
0x41: {  	_ =	shalt  }
0x42: {  	_ =	shalt  }
0x43: {  	_ =	shalt  }
0x44: {  	_ =	shalt  }
0x45: {  	_ =	shalt  }
0x46: {  	_ =	shalt  }
0x47: {  	_ =	shalt  }
0x48: {  	_ =	shalt  }
0x49: {  	_ =	shalt  }
0x4a: {  	_ =	shalt  }
0x4b: {  	_ =	shalt  }
0x4c: {  	_ =	shalt  }
0x4d: {  	_ =	shalt  }
0x4e: {  	_ =	shalt  }
0x4f: {  	_ =	shalt  }
0x50: {  	_ =	shalt  }
0x51: {  	_ =	shalt  }
0x52: {  	_ =	shalt  }
0x53: {  	_ =	shalt  }
0x54: {  	_ =	shalt  }
0x55: {  	_ =	shalt  }
0x56: {  	_ =	shalt  }
0x57: {  	_ =	shalt  }
0x58: {  	_ =	shalt  }
0x59: {  	_ =	shalt  }
0x5a: {  	_ =	shalt  }
0x5b: {  	_ =	shalt  }
0x5c: {  	_ =	shalt  }
0x5d: {  	_ =	shalt  }
0x5e: {  	_ =	shalt  }
0x5f: {  	_ =	shalt  }
0x60: {  	_ =	shalt  }
0x61: {  	_ =	shalt  }
0x62: {  	_ =	shalt  }
0x63: {  	_ =	shalt  }
0x64: {  	_ =	shalt  }
0x65: {  	_ =	shalt  }
0x66: {  	_ =	shalt  }
0x67: {  	_ =	shalt  }
0x68: {  	_ =	shalt  }
0x69: {  	_ =	shalt  }
0x6a: {  	_ =	shalt  }
0x6b: {  	_ =	shalt  }
0x6c: {  	_ =	shalt  }
0x6d: {  	_ =	shalt  }
0x6e: {  	_ =	shalt  }
0x6f: {  	_ =	shalt  }
0x70: {  	_ =	shalt  }
0x71: {  	_ =	shalt  }
0x72: {  	_ =	shalt  }
0x73: {  	_ =	shalt  }
0x74: {  	_ =	shalt  }
0x75: {  	_ =	shalt  }
0x76: {  	_ =	shalt  }
0x77: {  	_ =	shalt  }
0x78: {  	_ =	shalt  }
0x79: {  	_ =	shalt  }
0x7a: {  	_ =	shalt  }
0x7b: {  	_ =	shalt  }
0x7c: {  	_ =	shalt  }
0x7d: {  	_ =	shalt  }
0x7e: {  	_ =	shalt  }
0x7f: {  	_ =	shalt  }
0x80: {  	_ =	shalt  }
0x81: {  	_ =	shalt  }
0x82: {  	_ =	shalt  }
0x83: {  	_ =	shalt  }
0x84: {  	_ =	shalt  }
0x85: {  	_ =	shalt  }
0x86: {  	_ =	shalt  }
0x87: {  	_ =	shalt  }
.Lfunc_end0:
.L_simem_size_0:
called_computation_lowered:
.L_overlay_start_0:
0x88: {  	s2 =	sld [smem:$0x3FD9]  }
0x89: {  	s3 =	sld [smem:$0x3FFE];
	_ =	sdelay $0x1  }
0x8a: {  	s1 =	srdreg.scid  }
0x8b: {  	s0 =	sand.u32 $0x1, s1  }
0x8c: {  	s18 =	sshll.u32 s0, $0xA;
	s2 =	sadd.s32 s3, s2  }
0x8d: {  	s2 =	sadd.s32 s2, s18  }
0x8e: {  	[smem:$0x3FC6] =	sst s2  }
0x8f: {  	_ = 	snop  }
0x90: {  	s2 =	sld [smem:$0x3FC9]  }
0x91: {  	s19 =	sld [smem:$0x3FC8]  }
0x92: {  	s4 =	sld [smem:$0x3FD0];
	(tm) =	ssettm $0x1  }
0x93: {  	s5 =	sld [smem:$0x3FFB];
	_ =	sdelay $0x3  }
0x94: {  	_ =	strace s5  }
0x95: {  	s5 =	sld [smem:$0x3FFC];
	_ =	sdelay $0x3  }
0x96: {  	_ =	strace s5  }
0x97: {  	s5 =	sld [smem:$0x3FFD];
	_ =	sdelay $0x3  }
0x98: {  	_ =	strace s5  }
0x99: {  	_ =	strace $0x8FFFFFFF  }
0x9a: {  	s20 =	sld [smem:$0x3FDB];
	_ =	sdelay $0x1  }
0x9b: {  	s6 =	simm.s32 $_scs_section_size  }
0x9c: {  	s7 =	simm.s32 $_size__tile_overlayer_lowered;
	s8 =	simm.s32 $_tile_overlayer_lowered  }
0x9d: {  	s23 =	simm.s32 $0x1BFF;
	s22 =	sshll.u32 s8, $0x1;
	s5 =	sadd.s32 s6, s20  }
0x9e: {  	s9 =	simm.s32 $0x0;
	s21 =	sshll.u32 s7, $0x1;
	s7 =	sadd.s32 s22, s5  }
0x9f: {  	[timem:s9], [sflag:s23] =	dma.local [hbm:s7], s21  }
0xa0: {  	_ =	swait.ge [sflag:s23], s21  }
0xa1: {  	s6 =	ssub.s32 $0x0, s21;
	[sflag:s23] =	ssyncset.done $0x0  }
0xa2: {  	[sflag:s23] =	ssyncadd.s32 s6;
	_ =	sdelay $0x1  }
0xa3: {  	s24 =	simm.s32 $0x1B8B  }
0xa4: {  	_ =	swait.ge [sflag:s24], $0x1  }
0xa5: {  	[sflag:s24] =	ssyncset.done $0x0  }
0xa6: {  	s25 =	simm.s32 $0x1B8E;
	[sflag:s24] =	ssyncadd.s32 $0xFFFFFFFF  }
0xa7: {  	s26 =	simm.s32 $execute0_lowered;
	[smem:$0x3FD2] =	sst s25  }
0xa8: {  	s6 =	sshll.u32 s26, $0x1;
	_ =	strace $0x80000046;
	[dreg:$0x1] =	wrdreg $0xFFFFFFFF  }
0xa9: {  	s28 =	simm.s32 $_size_execute0_lowered;
	s5 =	sadd.s32 s5, s6;
	[dreg:$0x0] =	wrdreg $0x0  }
0xaa: {  	s6 =	sshll.u32 s28, $0x1;
	[dreg:$0x2] =	wrdreg s5  }
0xab: {  	[dreg:$0x3] =	wrdreg s6  }
0xac: {  	[dreg:$0x4] =	wrdreg $0xC0  }
0xad: {  	_ =	task [dreg:s9], $0x5FFFF  }
0xae: {  	[dreg:$0x1] =	wrdreg $0xFFFFFFFF  }
0xaf: {  	[dreg:$0x0] =	wrdreg $0x60  }
0xb0: {  	[dreg:$0x2] =	wrdreg s2  }
0xb1: {  	[dreg:$0x3] =	wrdreg s19  }
0xb2: {  	[dreg:$0x4] =	wrdreg s4  }
0xb3: {  	[dreg:$0x5] =	wrdreg $0x9  }
0xb4: {  	_ =	task.clear_ibuf [dreg:s9], $0x6FFFF;
	_ =	strace $0x90000046  }
0xb5: {  	s29 =	simm.s32 $0x9;
	_ =	strace $0x80000048  }
0xb6: {  	_ =	swait.ge [sflag:s29], $0x1  }
0xb7: {  	[sflag:s29] =	ssyncadd.s32 $0xFFFFFFFF  }
0xb8: {  	_ =	strace $0x90000048  }
0xb9: {  	_ =	sfence  }
0xba: {  	s30 =	sld [smem:$0x0];
	_ =	sdelay $0x2  }
0xbb: {  	s31 =	sshll.u32 s1, $0xD;
	s1 =	sshrl.u32 s1, $0x2  }
0xbc: {  	s3 =	sand.u32 $0x4000, s31;
	s1 =	sadd.s32 s1, s30  }
0xbd: {  	s0 =	sor.u32 s3, s0;
	s1 =	sshll.u32 s1, $0x11  }
0xbe: {  	s0 =	sor.u32 s1, s0  }
0xbf: {  	s0 =	sadd.s32 $0x8F2B, s0  }
0xc0: {  	[sflag:s0] =	ssyncadd.remote.s32 $0x1  }
0xc1: {  	_ =	sfence.sel $0xFFFF  }
0xc2: {  	[dreg:$0x0] =	wrdreg $0xFFFFFFFF;
	(pc) =	sbr.abs _section_cstart, $3  }
0xc3: {  	[dreg:$0x1] =	wrdreg $0xFFFFFFFF  }
0xc4: {  	_ =	task.clear_ibuf [dreg:s9], $0x2FFFF;
	_ =	strace $0x9FFFFFFF  }
0xc5: {  	(tm) =	ssettm $0x7FFFFFFF  }
tec
execute0_lowered:
.L_overlay_start_1:
0x0: {  	(tag) =	ssettag $0x1  }
0x1: {  	s0 =	rddreg [dreg:$0x0]  }
0x2: {  	s1 =	rddreg [dreg:$0x1]  }
0x3: {  	s3 =	rddreg [dreg:$0x2];
	s4 =	srdreg.scid  }
0x4: {  	s2 =	simm.s32 $0x0;
	s11 =	stileid.u32;
	s13 =	simm.s32 $0x8900  }
0x5: {  	s14 =	simm.s32 $0x9100;
	s15 =	simm.s32 $0x9900;
	s16 =	simm.s32 $0xA100  }
0x6: {  	s17 =	simm.s32 $0xA900;
	s18 =	simm.s32 $0xB100;
	[smem:$0x7FF] =	sst s2  }
0x7: {  	s19 =	simm.s32 $0xB900;
	_ =	strace $0x80000047;
	[dreg:$0x5] =	wrdreg s13  }
0x8: {  	s20 =	simm.s32 $0xC100;
	s21 =	simm.s32 $0xC900;
	[dreg:$0x6] =	wrdreg s14  }
0x9: {  	s22 =	simm.s32 $0xD100;
	s23 =	simm.s32 $0xD900;
	[dreg:$0x7] =	wrdreg s15  }
0xa: {  	s24 =	simm.s32 $0xE100;
	s25 =	simm.s32 $0xE900;
	[dreg:$0x8] =	wrdreg s16  }
0xb: {  	s26 =	simm.s32 $0xF100;
	s28 =	simm.s32 $0x7900;
	[dreg:$0x9] =	wrdreg s17  }
0xc: {  	s29 =	simm.s32 $0x8100;
	s30 =	simm.s32 $0xF900;
	[dreg:$0xa] =	wrdreg s18  }
0xd: {  	s31 =	simm.s32 $0x1;
	s5 =	sand.u32 $0x1, s4;
	[dreg:$0xb] =	wrdreg s19  }
0xe: {  	s7 =	sshll.u32 s11, $0x8;
	s9 =	sshll.u32 s11, $0x2;
	[dreg:$0xc] =	wrdreg s20  }
0xf: {  	s4 =	ssub.s32 $0x2, s5;
	s8 =	sshll.u32 s5, $0x7;
	[dreg:$0xd] =	wrdreg s21  }
0x10: {  	s12 =	sshll.u32 s5, $0xF;
	s5 =	sadd.s32 $0x100, s1;
	[dreg:$0xe] =	wrdreg s22  }
0x11: {  	s18 =	simm.s32 $0x3100;
	s19 =	simm.s32 $0x3900;
	[dreg:$0xf] =	wrdreg s23  }
0x12: {  	s20 =	simm.s32 $0x4100;
	s21 =	simm.s32 $0x4900;
	[dreg:$0x10] =	wrdreg s24  }
0x13: {  	s22 =	simm.s32 $0x5100;
	s23 =	simm.s32 $0x5900;
	[dreg:$0x11] =	wrdreg s25  }
0x14: {  	s24 =	simm.s32 $0x6100;
	[dreg:$0x12] =	wrdreg s26;
	s25 =	simm.s32 $0x6900  }
0x15: {  	s26 =	simm.s32 $0x7100;
	s6 =	sshrl.u32 s4, $0x1;
	s7 =	sor.u32 s8, s7  }
0x16: {  	s8 =	sand.u32 $0x30, s9;
	s9 =	sshll.u32 s11, $0x10;
	s10 =	ssub.s32 s4, s6  }
0x17: {  	s4 =	sand.u32 $0x380, s7;
	s0 =	sadd.s32 s0, s8;
	s11 =	sadd.s32 s9, s3  }
0x18: {  	s6 =	sadd.s32 $0x200, s1;
	s7 =	sadd.s32 $0x300, s1;
	s3 =	simm.s32 $0x3  }
0x19: {  	v2 =	vlaneseq.u32;
	s9 =	simm.s32 $0x4;
	s4 =	sadd.s32 s4, s0;
	s0 =	sadd.s32 s12, s11  }
0x1a: {  	vm0 =	vmmov $0xffff;
	v1 =	vshrl.u32 v2, $0x3;
	s8 =	smax.u32 s10, $0x1;
	s11 =	simm.s32 $0x5;
	s12 =	simm.s32 $0x100  }
0x1b: {  	v0 =	vand.u32 $0x7, v2;
	v2 =	vor.u32 $0x8, v2;
	v1 =	vmul.u32 $0x8, v1;
	s10 =	simm.s32 $0x0;
	[dreg:$0x4] =	wrdreg s0;
	s0 =	simm.s32 $0x2  }
.LBB2_1:
0x1c: {  	s13 =	simm.s32 $0x80;
	s14 =	simm.s32 $0x200  }
0x1d: {  	[tilespmem:s2], [sflag:$0x5] =	stream.strided.gather [hbm4b:s4+s13], $0x100, s14, s13, $0x38;
	[tilespmem:$0x10100] =	vst v63  }
0x1e: {  	_ =	swait.ge [sflag:s11], $0x100  }
0x1f: {  	[sflag:s11] =	ssyncset.done $0x0  }
0x20: {  	[sflag:s11] =	ssyncadd.s32 $0xFFFFFF00  }
0x21: {  	v3 =	vld [tilespmem:$0x0];
	_ =	sdelay $0x4  }
0x22: {  	v4 =	vshll.u32 v3, $0x3  }
0x23: {  	v3 =	vand.u32 $0x7, v3;
	v4 =	vand.u32 $0xFFFFFFC0, v4  }
0x24: {  	v3 =	vor.u32 v3, v4  }
0x25: {  	v4 =	vperm.xlane v3, v0;
	_ =	sdelay $0x1  }
0x26: {  	v4 =	vadd.s32 v1, v4;
	_ =	sdelay $0x4  }
0x27: {  	[tilespmem:s12], [sflag:$0x1] =	stream.indirect_vreg.gather [hbm4b:s1+s2], $0x80, v4, vm0, $0xb8;
	[tilespmem:$0x10100] =	vst v63  }
0x28: {  	s17 =	simm.s32 $0x900;
	v3 =	vperm.xlane v3, v2  }
0x29: {  	[tilespmem:s17], [sflag:$0x1] =	stream.indirect_vreg.gather [hbm4b:s5+s2], $0x80, v4, vm0, $0xb8;
	[tilespmem:$0x10100] =	vst v63  }
0x2a: {  	s14 =	simm.s32 $0x1100;
	v3 =	vadd.s32 v1, v3  }
0x2b: {  	[tilespmem:s14], [sflag:$0x1] =	stream.indirect_vreg.gather [hbm4b:s6+s2], $0x80, v4, vm0, $0xb8;
	[tilespmem:$0x10100] =	vst v63  }
0x2c: {  	s15 =	simm.s32 $0x1900  }
0x2d: {  	[tilespmem:s15], [sflag:$0x1] =	stream.indirect_vreg.gather [hbm4b:s7+s2], $0x80, v4, vm0, $0xb8;
	[tilespmem:$0x10100] =	vst v63  }
0x2e: {  	s16 =	simm.s32 $0x2100  }
0x2f: {  	[tilespmem:s16], [sflag:$0x1] =	stream.indirect_vreg.gather [hbm4b:s1+s2], $0x80, v3, vm0, $0xb8;
	[tilespmem:$0x10100] =	vst v63  }
0x30: {  	s17 =	simm.s32 $0x2900  }
0x31: {  	[tilespmem:s17], [sflag:$0x1] =	stream.indirect_vreg.gather [hbm4b:s5+s2], $0x80, v3, vm0, $0xb8;
	[tilespmem:$0x10100] =	vst v63  }
0x32: {  	_ = 	snop  }
0x33: {  	[tilespmem:s18], [sflag:$0x1] =	stream.indirect_vreg.gather [hbm4b:s6+s2], $0x80, v3, vm0, $0xb8;
	[tilespmem:$0x10100] =	vst v63  }
0x34: {  	_ = 	snop  }
0x35: {  	[tilespmem:s19], [sflag:$0x1] =	stream.indirect_vreg.gather [hbm4b:s7+s2], $0x80, v3, vm0, $0xb8;
	[tilespmem:$0x10100] =	vst v63  }
0x36: {  	v3 =	vld [tilespmem:$0x10];
	_ =	sdelay $0x4  }
0x37: {  	v63 =	vshll.u32 v3, $0x3  }
0x38: {  	v3 =	vand.u32 $0x7, v3;
	v4 =	vand.u32 $0xFFFFFFC0, v63  }
0x39: {  	v3 =	vor.u32 v3, v4  }
0x3a: {  	v4 =	vperm.xlane v3, v0;
	_ =	sdelay $0x1  }
0x3b: {  	v4 =	vadd.s32 v1, v4;
	_ =	sdelay $0x4  }
0x3c: {  	[tilespmem:s20], [sflag:$0x1] =	stream.indirect_vreg.gather [hbm4b:s1+s2], $0x80, v4, vm0, $0xb8;
	[tilespmem:$0x10100] =	vst v63  }
0x3d: {  	v3 =	vperm.xlane v3, v2  }
0x3e: {  	[tilespmem:s21], [sflag:$0x1] =	stream.indirect_vreg.gather [hbm4b:s5+s2], $0x80, v4, vm0, $0xb8;
	[tilespmem:$0x10100] =	vst v63  }
0x3f: {  	v3 =	vadd.s32 v1, v3  }
0x40: {  	[tilespmem:s22], [sflag:$0x1] =	stream.indirect_vreg.gather [hbm4b:s6+s2], $0x80, v4, vm0, $0xb8;
	[tilespmem:$0x10100] =	vst v63  }
0x41: {  	_ = 	snop  }
0x42: {  	[tilespmem:s23], [sflag:$0x1] =	stream.indirect_vreg.gather [hbm4b:s7+s2], $0x80, v4, vm0, $0xb8;
	[tilespmem:$0x10100] =	vst v63  }
0x43: {  	_ = 	snop  }
0x44: {  	[tilespmem:s24], [sflag:$0x1] =	stream.indirect_vreg.gather [hbm4b:s1+s2], $0x80, v3, vm0, $0xb8;
	[tilespmem:$0x10100] =	vst v63  }
0x45: {  	_ = 	snop  }
0x46: {  	[tilespmem:s25], [sflag:$0x1] =	stream.indirect_vreg.gather [hbm4b:s5+s2], $0x80, v3, vm0, $0xb8;
	[tilespmem:$0x10100] =	vst v63  }
0x47: {  	_ = 	snop  }
0x48: {  	[tilespmem:s26], [sflag:$0x1] =	stream.indirect_vreg.gather [hbm4b:s6+s2], $0x80, v3, vm0, $0xb8;
	[tilespmem:$0x10100] =	vst v63  }
0x49: {  	s13 =	simm.s32 $0x30;
	s14 =	simm.s32 $0x0  }
0x4a: {  	[tilespmem:s28], [sflag:$0x1] =	stream.indirect_vreg.gather [hbm4b:s7+s2], $0x80, v3, vm0, $0xb8;
	[tilespmem:$0x10100] =	vst v63  }
.LBB2_2:
0x4b: {  	p0 =	seq.s32 s14, $0x0  }
0x4c: {  	s15 =	simm.s32 @!p0 $0x4  }
0x4d: {  	_ =	swait.ge @!p0 [sflag:s15], $0x8000  }
0x4e: {  	[sflag:s15] =	ssyncset.done @!p0 $0x0  }
0x4f: {  	[sflag:s15] =	ssyncadd.s32 @!p0 $0xFFFF8000  }
0x50: {  	v3 =	vld [tilespmem:s13+$0xFFFFFFF0];
	_ =	sdelay $0x4  }
0x51: {  	v4 =	vshll.u32 v3, $0x3  }
0x52: {  	v3 =	vand.u32 $0x7, v3;
	v4 =	vand.u32 $0xFFFFFFC0, v4  }
0x53: {  	v3 =	vor.u32 v3, v4  }
0x54: {  	v4 =	vperm.xlane v3, v0;
	_ =	sdelay $0x1  }
0x55: {  	v4 =	vadd.s32 v1, v4;
	_ =	sdelay $0x4  }
0x56: {  	[tilespmem:s29], [sflag:$0x2] =	stream.indirect_vreg.gather [hbm4b:s1+s2], $0x80, v4, vm0, $0xb8;
	[tilespmem:$0x10100] =	vst v63  }
0x57: {  	s17 =	rddreg [dreg:$0x5];
	v3 =	vperm.xlane v3, v2  }
0x58: {  	[tilespmem:s17], [sflag:$0x2] =	stream.indirect_vreg.gather [hbm4b:s5+s2], $0x80, v4, vm0, $0xb8;
	[tilespmem:$0x10100] =	vst v63  }
0x59: {  	s16 =	rddreg [dreg:$0x6];
	v3 =	vadd.s32 v1, v3  }
0x5a: {  	[tilespmem:s16], [sflag:$0x2] =	stream.indirect_vreg.gather [hbm4b:s6+s2], $0x80, v4, vm0, $0xb8;
	[tilespmem:$0x10100] =	vst v63  }
0x5b: {  	s17 =	rddreg [dreg:$0x7]  }
0x5c: {  	[tilespmem:s17], [sflag:$0x2] =	stream.indirect_vreg.gather [hbm4b:s7+s2], $0x80, v4, vm0, $0xb8;
	[tilespmem:$0x10100] =	vst v63  }
0x5d: {  	s16 =	rddreg [dreg:$0x8]  }
0x5e: {  	[tilespmem:s16], [sflag:$0x2] =	stream.indirect_vreg.gather [hbm4b:s1+s2], $0x80, v3, vm0, $0xb8;
	[tilespmem:$0x10100] =	vst v63  }
0x5f: {  	s17 =	rddreg [dreg:$0x9]  }
0x60: {  	[tilespmem:s17], [sflag:$0x2] =	stream.indirect_vreg.gather [hbm4b:s5+s2], $0x80, v3, vm0, $0xb8;
	[tilespmem:$0x10100] =	vst v63  }
0x61: {  	s16 =	rddreg [dreg:$0xa]  }
0x62: {  	[tilespmem:s16], [sflag:$0x2] =	stream.indirect_vreg.gather [hbm4b:s6+s2], $0x80, v3, vm0, $0xb8;
	[tilespmem:$0x10100] =	vst v63  }
0x63: {  	s17 =	rddreg [dreg:$0xb]  }
0x64: {  	[tilespmem:s17], [sflag:$0x2] =	stream.indirect_vreg.gather [hbm4b:s7+s2], $0x80, v3, vm0, $0xb8;
	[tilespmem:$0x10100] =	vst v63  }
0x65: {  	v3 =	vld [tilespmem:s13+$0x0];
	_ =	sdelay $0x4  }
0x66: {  	v63 =	vshll.u32 v3, $0x3  }
0x67: {  	v3 =	vand.u32 $0x7, v3;
	v4 =	vand.u32 $0xFFFFFFC0, v63  }
0x68: {  	v3 =	vor.u32 v3, v4  }
0x69: {  	v4 =	vperm.xlane v3, v0;
	_ =	sdelay $0x1  }
0x6a: {  	v4 =	vadd.s32 v1, v4;
	_ =	sdelay $0x3  }
0x6b: {  	s17 =	rddreg [dreg:$0xc]  }
0x6c: {  	[tilespmem:s17], [sflag:$0x2] =	stream.indirect_vreg.gather [hbm4b:s1+s2], $0x80, v4, vm0, $0xb8;
	[tilespmem:$0x10100] =	vst v63  }
0x6d: {  	s16 =	rddreg [dreg:$0xd];
	v3 =	vperm.xlane v3, v2  }
0x6e: {  	[tilespmem:s16], [sflag:$0x2] =	stream.indirect_vreg.gather [hbm4b:s5+s2], $0x80, v4, vm0, $0xb8;
	[tilespmem:$0x10100] =	vst v63  }
0x6f: {  	v3 =	vadd.s32 v1, v3;
	s17 =	rddreg [dreg:$0xe]  }
0x70: {  	[tilespmem:s17], [sflag:$0x2] =	stream.indirect_vreg.gather [hbm4b:s6+s2], $0x80, v4, vm0, $0xb8;
	[tilespmem:$0x10100] =	vst v63  }
0x71: {  	s16 =	rddreg [dreg:$0xf]  }
0x72: {  	[tilespmem:s16], [sflag:$0x2] =	stream.indirect_vreg.gather [hbm4b:s7+s2], $0x80, v4, vm0, $0xb8;
	[tilespmem:$0x10100] =	vst v63  }
0x73: {  	s17 =	rddreg [dreg:$0x10]  }
0x74: {  	[tilespmem:s17], [sflag:$0x2] =	stream.indirect_vreg.gather [hbm4b:s1+s2], $0x80, v3, vm0, $0xb8;
	[tilespmem:$0x10100] =	vst v63  }
0x75: {  	s16 =	rddreg [dreg:$0x11]  }
0x76: {  	[tilespmem:s16], [sflag:$0x2] =	stream.indirect_vreg.gather [hbm4b:s5+s2], $0x80, v3, vm0, $0xb8;
	[tilespmem:$0x10100] =	vst v63  }
0x77: {  	s17 =	rddreg [dreg:$0x12]  }
0x78: {  	[tilespmem:s17], [sflag:$0x2] =	stream.indirect_vreg.gather [hbm4b:s6+s2], $0x80, v3, vm0, $0xb8;
	[tilespmem:$0x10100] =	vst v63  }
0x79: {  	_ = 	snop  }
0x7a: {  	[tilespmem:s30], [sflag:$0x2] =	stream.indirect_vreg.gather [hbm4b:s7+s2], $0x80, v3, vm0, $0xb8;
	[tilespmem:$0x10100] =	vst v63  }
0x7b: {  	_ =	swait.ge [sflag:s31], $0x8000  }
0x7c: {  	p0 =	seq.s32 s14, $0x6000;
	s17 =	rddreg [dreg:$0x4];
	[sflag:s31] =	ssyncset.done $0x0  }
0x7d: {  	s16 =	simm.s32 @!p0 $0x3;
	[sflag:s31] =	ssyncadd.s32 $0xFFFF8000;
	s15 =	sadd.s32 s14, s17  }
0x7e: {  	[hbm4b:s15+s2] =	stream.linear.scatter [tilespmem:s12], [sflag:$0x3], $0x8000, $0x38;
	[tilespmem:$0x10100] =	vst v63  }
0x7f: {  	_ =	swait.ge @!p0 [sflag:s16], $0x8000  }
0x80: {  	[sflag:s16] =	ssyncset.done @!p0 $0x0  }
0x81: {  	[sflag:s16] =	ssyncadd.s32 @!p0 $0xFFFF8000  }
0x82: {  	v3 =	vld @!p0 [tilespmem:s13+$0x10];
	_ =	sdelay $0x4  }
0x83: {  	v4 =	vshll.u32 @!p0 v3, $0x3  }
0x84: {  	v5 =	vlaneseq.u32 @!p0;
	v3 =	vand.u32 @!p0 $0x7, v3;
	v4 =	vand.u32 @!p0 $0xFFFFFFC0, v4  }
0x85: {  	v6 =	vshrl.u32 @!p0 v5, $0x3;
	v3 =	vor.u32 @!p0 v3, v4;
	v4 =	vand.u32 @!p0 $0x7, v5  }
0x86: {  	v6 =	vmul.u32 @!p0 $0x8, v6;
	v7 =	vperm.xlane @!p0 v3, v4;
	_ =	sdelay $0x1  }
0x87: {  	v7 =	vadd.s32 @!p0 v6, v7;
	_ =	sdelay $0x3  }
0x88: {  	vm1 =	vmmov @!p0 $0xffff;
	s17 =	simm.s32 @!p0 $0x100;
	s16 =	simm.s32 @!p0 $0x0  }
0x89: {  	v5 =	vor.u32 @!p0 $0x8, v5;
	[tilespmem:s17], [sflag:$0x1] =	stream.indirect_vreg.gather @!p0 [hbm4b:s1+s16], $0x80, v7, vm1, $0xb8;
	[tilespmem:$0x10100] =	vst v63  }
0x8a: {  	v3 =	vperm.xlane @!p0 v3, v5;
	s17 =	simm.s32 @!p0 $0x900  }
0x8b: {  	[tilespmem:s17], [sflag:$0x1] =	stream.indirect_vreg.gather @!p0 [hbm4b:s5+s16], $0x80, v7, vm1, $0xb8;
	[tilespmem:$0x10100] =	vst v63  }
0x8c: {  	v3 =	vadd.s32 @!p0 v6, v3;
	s17 =	simm.s32 @!p0 $0x1100  }
0x8d: {  	[tilespmem:s17], [sflag:$0x1] =	stream.indirect_vreg.gather @!p0 [hbm4b:s6+s16], $0x80, v7, vm1, $0xb8;
	[tilespmem:$0x10100] =	vst v63  }
0x8e: {  	s17 =	simm.s32 @!p0 $0x1900  }
0x8f: {  	[tilespmem:s17], [sflag:$0x1] =	stream.indirect_vreg.gather @!p0 [hbm4b:s7+s16], $0x80, v7, vm1, $0xb8;
	[tilespmem:$0x10100] =	vst v63  }
0x90: {  	s17 =	simm.s32 @!p0 $0x2100  }
0x91: {  	[tilespmem:s17], [sflag:$0x1] =	stream.indirect_vreg.gather @!p0 [hbm4b:s1+s16], $0x80, v3, vm1, $0xb8;
	[tilespmem:$0x10100] =	vst v63  }
0x92: {  	s17 =	simm.s32 @!p0 $0x2900  }
0x93: {  	[tilespmem:s17], [sflag:$0x1] =	stream.indirect_vreg.gather @!p0 [hbm4b:s5+s16], $0x80, v3, vm1, $0xb8;
	[tilespmem:$0x10100] =	vst v63  }
0x94: {  	s17 =	simm.s32 @!p0 $0x3100  }
0x95: {  	[tilespmem:s17], [sflag:$0x1] =	stream.indirect_vreg.gather @!p0 [hbm4b:s6+s16], $0x80, v3, vm1, $0xb8;
	[tilespmem:$0x10100] =	vst v63  }
0x96: {  	s17 =	simm.s32 @!p0 $0x3900  }
0x97: {  	[tilespmem:s17], [sflag:$0x1] =	stream.indirect_vreg.gather @!p0 [hbm4b:s7+s16], $0x80, v3, vm1, $0xb8;
	[tilespmem:$0x10100] =	vst v63  }
0x98: {  	v3 =	vld @!p0 [tilespmem:s13+$0x20];
	_ =	sdelay $0x4  }
0x99: {  	v7 =	vshll.u32 @!p0 v3, $0x3  }
0x9a: {  	v3 =	vand.u32 @!p0 $0x7, v3;
	v7 =	vand.u32 @!p0 $0xFFFFFFC0, v7  }
0x9b: {  	v3 =	vor.u32 @!p0 v3, v7  }
0x9c: {  	v4 =	vperm.xlane @!p0 v3, v4;
	_ =	sdelay $0x1  }
0x9d: {  	v4 =	vadd.s32 @!p0 v6, v4;
	_ =	sdelay $0x3  }
0x9e: {  	s17 =	simm.s32 @!p0 $0x4100  }
0x9f: {  	[tilespmem:s17], [sflag:$0x1] =	stream.indirect_vreg.gather @!p0 [hbm4b:s1+s16], $0x80, v4, vm1, $0xb8;
	[tilespmem:$0x10100] =	vst v63  }
0xa0: {  	v3 =	vperm.xlane @!p0 v3, v5;
	s17 =	simm.s32 @!p0 $0x4900  }
0xa1: {  	[tilespmem:s17], [sflag:$0x1] =	stream.indirect_vreg.gather @!p0 [hbm4b:s5+s16], $0x80, v4, vm1, $0xb8;
	[tilespmem:$0x10100] =	vst v63  }
0xa2: {  	v3 =	vadd.s32 @!p0 v6, v3;
	s17 =	simm.s32 @!p0 $0x5100  }
0xa3: {  	[tilespmem:s17], [sflag:$0x1] =	stream.indirect_vreg.gather @!p0 [hbm4b:s6+s16], $0x80, v4, vm1, $0xb8;
	[tilespmem:$0x10100] =	vst v63  }
0xa4: {  	s17 =	simm.s32 @!p0 $0x5900  }
0xa5: {  	[tilespmem:s17], [sflag:$0x1] =	stream.indirect_vreg.gather @!p0 [hbm4b:s7+s16], $0x80, v4, vm1, $0xb8;
	[tilespmem:$0x10100] =	vst v63  }
0xa6: {  	s17 =	simm.s32 @!p0 $0x6100  }
0xa7: {  	[tilespmem:s17], [sflag:$0x1] =	stream.indirect_vreg.gather @!p0 [hbm4b:s1+s16], $0x80, v3, vm1, $0xb8;
	[tilespmem:$0x10100] =	vst v63  }
0xa8: {  	s17 =	simm.s32 @!p0 $0x6900  }
0xa9: {  	[tilespmem:s17], [sflag:$0x1] =	stream.indirect_vreg.gather @!p0 [hbm4b:s5+s16], $0x80, v3, vm1, $0xb8;
	[tilespmem:$0x10100] =	vst v63  }
0xaa: {  	s17 =	simm.s32 @!p0 $0x7100  }
0xab: {  	[tilespmem:s17], [sflag:$0x1] =	stream.indirect_vreg.gather @!p0 [hbm4b:s6+s16], $0x80, v3, vm1, $0xb8;
	[tilespmem:$0x10100] =	vst v63  }
0xac: {  	s14 =	sadd.s32 $0x2000, s14;
	s17 =	simm.s32 @!p0 $0x7900  }
0xad: {  	[tilespmem:s17], [sflag:$0x1] =	stream.indirect_vreg.gather @!p0 [hbm4b:s7+s16], $0x80, v3, vm1, $0xb8;
	[tilespmem:$0x10100] =	vst v63  }
0xae: {  	p0 =	sne.s32 s14, $0x8000  }
.Ltmp0:
0xaf: {  	_ = 	snop;
	(pc) =	sbr.rel @p0 .LBB2_2-.Ltmp0, $4  }
0xb0: {  	_ =	swait.ge [sflag:s0], $0x8000  }
0xb1: {  	[sflag:s0] =	ssyncset.done $0x0  }
0xb2: {  	s15 =	sadd.s32 $0x1000, s15;
	s13 =	sadd.s32 $0x40, s13;
	[sflag:s0] =	ssyncadd.s32 $0xFFFF8000  }
0xb3: {  	[hbm4b:s15+s2] =	stream.linear.scatter [tilespmem:s29], [sflag:$0x4], $0x8000, $0x38;
	[tilespmem:$0x10100] =	vst v63  }
0xb4: {  	s10 =	sadd.s32 $0x1, s10  }
0xb5: {  	_ =	swait.ge [sflag:s3], $0x8000;
	p0 =	sne.s32 s10, s8  }
.Ltmp1:
0xb6: {  	[sflag:s3] =	ssyncset.done $0x0;
	(pc) =	sbr.rel @p0 .LBB2_1-.Ltmp1, $4  }
0xb7: {  	[sflag:s3] =	ssyncadd.s32 $0xFFFF8000  }
0xb8: {  	_ =	swait.ge [sflag:s9], $0x8000  }
0xb9: {  	[sflag:s9] =	ssyncset.done $0x0  }
0xba: {  	[sflag:s9] =	ssyncadd.s32 $0xFFFF8000  }
0xbb: {  	_ =	sfence.sel $0x180000  }
0xbc: {  	[bflag:$0x0] =	sbarrier.arrive $0xFFFF  }
0xbd: {  	_ =	strace $0x90000047  }
0xbe: {  	s0 =	stileid.u32;
	[bflag:$0x2] =	sbarrier.arrive $0xFFFF  }
0xbf: {  	p0 =	sne.s32 s0, $0x0;
	s0 =	rddreg [dreg:$0x3]  }
0xc0: {  	s0 =	sadd.s32 @!p0 $0x100000, s0  }
0xc1: {  	[sflag:s0] =	ssyncadd.tile.s32 @!p0 $0x1;
	_ =	shalt  }
.Lfunc_end2:
_tile_overlayer_lowered:
.L_overlay_start_2:
0xc2: {  	(tag) =	ssettag $0x2  }
0xc3: {  	s0 =	rddreg [dreg:$0x0];
	s2 =	stileid.u32  }
0xc4: {  	s1 =	rddreg [dreg:$0x1];
	p0 =	sne.s32 s2, $0x0  }
0xc5: {  	s3 =	rddreg [dreg:$0x2];
	[bflag:$0x3] =	sbarrier.arrive $0xFFFF;
	s2 =	simm.s32 @!p0 $0x1C05  }
0xc6: {  	[timem:s3], [sflag:s2] =	dma.local @!p0 [hbm:s0], s1  }
0xc7: {  	s0 =	simm.s32 @!p0 $0x5  }
0xc8: {  	_ =	swait.ge @!p0 [sflag:s0], s1  }
0xc9: {  	s1 =	ssub.s32 @!p0 $0x0, s1;
	[sflag:s0] =	ssyncset.done @!p0 $0x0  }
0xca: {  	[sflag:s0] =	ssyncadd.s32 @!p0 s1  }
0xcb: {  	[bflag:$0x3] =	sbarrier.arrive $0xFFFF  }
0xcc: {  	_ =	shalt  }

</sc_bundles>
